<compile_context>
chip_gen: v7x
topology: tpu7x:2x2x1
jax: 0.10.2.dev20260603
libtpu: 0.0.44.dev20260713+nightly
codegen_flags: <defaults>
</compile_context>

<pallas_src>
import functools

import jax
import jax.numpy as jnp
from jax import lax
from jax.experimental import pallas as pl
from jax.experimental.pallas import tpu as pltpu
from jax.experimental.pallas import tpu_sc as plsc

_NC = 2
_NS = 16
_NW = _NC * _NS
_C = 208
_NB = 4


def _make_body(nch, nblk, d):
    def body(idx_hbm, table_hbm, out_hbm, idx_v, *bufs):
        rows = bufs[:_NB]
        gsem = bufs[_NB:2 * _NB]
        ssem = bufs[2 * _NB:]

        wid = lax.axis_index("s") * _NC + lax.axis_index("c")
        row0 = wid * nch

        pltpu.sync_copy(idx_hbm.at[pl.ds(row0 * _C, nch * _C)], idx_v)

        def gather(c, b):
            pltpu.make_async_copy(
                table_hbm.at[idx_v.at[pl.ds(c * _C, _C)]], rows[b], gsem[b]).start()

        def wait_gather(b):
            pltpu.make_async_copy(table_hbm.at[pl.ds(0, _C)], rows[b], gsem[b]).wait()

        def store(c, b):
            pltpu.make_async_copy(
                rows[b], out_hbm.at[pl.ds((row0 + c) * _C, _C)], ssem[b]).start()

        def wait_store(b):
            pltpu.make_async_copy(rows[b], out_hbm.at[pl.ds(0, _C)], ssem[b]).wait()

        for c in range(_NB - 1):
            gather(c, c)

        for b in range(_NB):
            pb = (b + _NB - 1) % _NB
            if b >= 1:
                wait_store(pb)
            gather(b + _NB - 1, pb)
            wait_gather(b)
            store(b, b)

        def blk(i, carry):
            c0 = i * _NB
            for b in range(_NB):
                c = c0 + b
                pb = (b + _NB - 1) % _NB
                wait_store(pb)
                gather(c + _NB - 1, pb)
                wait_gather(b)
                store(c, b)
            return carry
        lax.fori_loop(1, nblk - 1, blk, 0)

        c0 = (nblk - 1) * _NB
        wait_store(_NB - 1)
        gather(c0 + _NB - 1, _NB - 1)
        wait_gather(0)
        store(c0, 0)
        for b in range(1, _NB):
            wait_gather(b)
            store(c0 + b, b)
        for b in range(_NB):
            wait_store(b)

    return body


@functools.lru_cache(maxsize=None)
def _make_call(total, d):
    assert total % (_NW * _C) == 0
    nch = total // (_NW * _C)
    assert nch % _NB == 0 and nch // _NB >= 2
    nblk = nch // _NB

    return pl.kernel(
        _make_body(nch, nblk, d),
        out_type=jax.ShapeDtypeStruct((total, d), jnp.float32),
        mesh=plsc.VectorSubcoreMesh(core_axis_name="c", subcore_axis_name="s"),
        scratch_types=[
            pltpu.VMEM((nch * _C,), jnp.int32),
            *[pltpu.VMEM((_C, d), jnp.float32) for _ in range(_NB)],
            *[pltpu.SemaphoreType.DMA for _ in range(2 * _NB)],
        ],
    )


def kernel(input, weight):
    b, s = input.shape
    d = weight.shape[-1]
    total = b * s
    idx = input.T.astype(jnp.int32).reshape(total)
    out = _make_call(total, d)(idx, weight)
    return out.reshape(s, b, d).transpose(1, 0, 2)

# --- scband reference (transcript-rebuilt; emitter-appended) ---
"""Pipeline reference for scband-quantum-embedding-55886114455742 (READ-ONLY COPY).

The authoritative reference and input builder live on the scoring server;
editing this copy changes nothing except your own understanding.
"""

import jax, jax.numpy as jnp
import numpy as np

NUM_EMBEDDINGS = 1000000
EMBEDDING_DIM = 64

def _init_weight(key):
    k1, k2 = jax.random.split(key)
    r = 1.0 + jax.random.normal(k1, (NUM_EMBEDDINGS, EMBEDDING_DIM), dtype=jnp.float32) * 0.02
    theta = jax.random.normal(k2, (NUM_EMBEDDINGS, EMBEDDING_DIM), dtype=jnp.float32) * 0.1
    real = r * jnp.cos(theta)
    imag = r * jnp.sin(theta)
    return jnp.concatenate([real, imag], axis=-1)

def setup_inputs(seed: int = 0) -> dict:
    key = jax.random.key(seed)
    k_idx, k_w = jax.random.split(key)
    indices = jax.random.randint(k_idx, (16384, 26), 0, NUM_EMBEDDINGS, dtype=jnp.int64 if jax.config.jax_enable_x64 else jnp.int32)
    weight = _init_weight(k_w)
    return {"input": indices, "weight": weight}

def reference(input, weight):
    # QuantumEmbedding.forward: plain embedding lookup into the [N, 2*D] table
    return jnp.take(weight, input, axis=0)

if __name__ == "__main__":
    import jax
    _d = setup_inputs()
    print(jax.jit(kernel)(*tuple(_d.values())))

</pallas_src>

<mosaic_0001>
#map = affine_map<(d0, d1) -> (0)>
#map1 = affine_map<(d0, d1) -> (0, 0)>
module attributes {stable_mosaic.version = 14 : i64} {
  func.func @body(%arg0: i32, %arg1: i32, %arg2: memref<425984xi32, #tpu.memory_space<hbm>>, %arg3: memref<1000000x128xf32, #tpu.memory_space<hbm>>, %arg4: memref<425984x128xf32, #tpu.memory_space<hbm>>, %arg5: memref<13312xi32, #tpu.memory_space<vmem>>, %arg6: memref<208x128xf32, #tpu.memory_space<vmem>>, %arg7: memref<208x128xf32, #tpu.memory_space<vmem>>, %arg8: memref<208x128xf32, #tpu.memory_space<vmem>>, %arg9: memref<208x128xf32, #tpu.memory_space<vmem>>, %arg10: memref<!tpu.dma_semaphore, #tpu.memory_space<semaphore_mem>>, %arg11: memref<!tpu.dma_semaphore, #tpu.memory_space<semaphore_mem>>, %arg12: memref<!tpu.dma_semaphore, #tpu.memory_space<semaphore_mem>>, %arg13: memref<!tpu.dma_semaphore, #tpu.memory_space<semaphore_mem>>, %arg14: memref<!tpu.dma_semaphore, #tpu.memory_space<semaphore_mem>>, %arg15: memref<!tpu.dma_semaphore, #tpu.memory_space<semaphore_mem>>, %arg16: memref<!tpu.dma_semaphore, #tpu.memory_space<semaphore_mem>>, %arg17: memref<!tpu.dma_semaphore, #tpu.memory_space<semaphore_mem>>) attributes {dimension_semantics = [#tpu.dimension_semantics<core_parallel>, #tpu.dimension_semantics<subcore_parallel>], iteration_bounds = array<i64: 2, 16>, scalar_prefetch = 0 : i64, scratch_operands = 13 : i64, tpu.core_type = #tpu.core_type<sc_vector_subcore>, window_params = [{transform_indices = #map}, {transform_indices = #map1}, {transform_indices = #map1}]} {
    %mul3A = arith.constant 2 : i32
    %mul3A_0 = arith.muli %arg1, %mul3A : i32
    %add3A = arith.addi %mul3A_0, %arg0 : i32
    %mul3A_1 = arith.constant 64 : i32
    %mul3A_2 = arith.muli %add3A, %mul3A_1 : i32
    %mul3A_3 = arith.constant 208 : i32
    %mul3A_4 = arith.muli %mul3A_2, %mul3A_3 : i32
    "tpu.region"() ({
      %run_scoped3A = tpu.sem_alloc : memref<!tpu.dma_semaphore, #tpu.memory_space<semaphore_mem>>
      %dma_start3A_208 = tpu.memref_slice %arg2[%mul3A_4] : memref<425984xi32, #tpu.memory_space<hbm>> -> memref<13312xi32, #tpu.memory_space<hbm>>
      %dma_start3A_209 = tpu.memref_slice %arg2[%mul3A_4] : memref<425984xi32, #tpu.memory_space<hbm>> -> memref<13312xi32, #tpu.memory_space<hbm>>
      tpu.enqueue_dma source(%dma_start3A_209 : memref<13312xi32, #tpu.memory_space<hbm>>) target(%arg5 : memref<13312xi32, #tpu.memory_space<vmem>>) target_semaphore(%run_scoped3A : memref<!tpu.dma_semaphore, #tpu.memory_space<semaphore_mem>>)
      %dma_wait3A_210 = tpu.memref_slice %arg2[%mul3A_4] : memref<425984xi32, #tpu.memory_space<hbm>> -> memref<13312xi32, #tpu.memory_space<hbm>>
      %dma_wait3A_211 = tpu.memref_slice %arg2[%mul3A_4] : memref<425984xi32, #tpu.memory_space<hbm>> -> memref<13312xi32, #tpu.memory_space<hbm>>
      tpu.wait_dma2 semaphore(%run_scoped3A : memref<!tpu.dma_semaphore, #tpu.memory_space<semaphore_mem>>) src(%dma_wait3A_211 : memref<13312xi32, #tpu.memory_space<hbm>>) dst(%arg5 : memref<13312xi32, #tpu.memory_space<vmem>>)
      tpu.yield
    }) : () -> ()
    %dma_start3A = arith.constant 0 : i32
    %dma_start3A_5 = tpu.memref_slice %arg5[%dma_start3A] : memref<13312xi32, #tpu.memory_space<vmem>> -> memref<208xi32, #tpu.memory_space<vmem>>
    %dma_start3A_6 = arith.constant 0 : i32
    %dma_start3A_7 = arith.constant 0 : i32
    %dma_start3A_8 = tpu.memref_slice %arg3[%dma_start3A_6, %dma_start3A_7] : memref<1000000x128xf32, #tpu.memory_space<hbm>> -> memref<1000000x128xf32, #tpu.memory_space<hbm>>
    tpu.enqueue_indirect_dma source(%dma_start3A_8 : memref<1000000x128xf32, #tpu.memory_space<hbm>>) target(%arg6 : memref<208x128xf32, #tpu.memory_space<vmem>>) offsets(%dma_start3A_5 : memref<208xi32, #tpu.memory_space<vmem>>) semaphore(%arg10 : memref<!tpu.dma_semaphore, #tpu.memory_space<semaphore_mem>>)
    %dma_start3A_9 = arith.constant 208 : i32
    %dma_start3A_10 = tpu.memref_slice %arg5[%dma_start3A_9] : memref<13312xi32, #tpu.memory_space<vmem>> -> memref<208xi32, #tpu.memory_space<vmem>>
    %dma_start3A_11 = arith.constant 0 : i32
    %dma_start3A_12 = arith.constant 0 : i32
    %dma_start3A_13 = tpu.memref_slice %arg3[%dma_start3A_11, %dma_start3A_12] : memref<1000000x128xf32, #tpu.memory_space<hbm>> -> memref<1000000x128xf32, #tpu.memory_space<hbm>>
    tpu.enqueue_indirect_dma source(%dma_start3A_13 : memref<1000000x128xf32, #tpu.memory_space<hbm>>) target(%arg7 : memref<208x128xf32, #tpu.memory_space<vmem>>) offsets(%dma_start3A_10 : memref<208xi32, #tpu.memory_space<vmem>>) semaphore(%arg11 : memref<!tpu.dma_semaphore, #tpu.memory_space<semaphore_mem>>)
    %dma_start3A_14 = arith.constant 416 : i32
    %dma_start3A_15 = tpu.memref_slice %arg5[%dma_start3A_14] : memref<13312xi32, #tpu.memory_space<vmem>> -> memref<208xi32, #tpu.memory_space<vmem>>
    %dma_start3A_16 = arith.constant 0 : i32
    %dma_start3A_17 = arith.constant 0 : i32
    %dma_start3A_18 = tpu.memref_slice %arg3[%dma_start3A_16, %dma_start3A_17] : memref<1000000x128xf32, #tpu.memory_space<hbm>> -> memref<1000000x128xf32, #tpu.memory_space<hbm>>
    tpu.enqueue_indirect_dma source(%dma_start3A_18 : memref<1000000x128xf32, #tpu.memory_space<hbm>>) target(%arg8 : memref<208x128xf32, #tpu.memory_space<vmem>>) offsets(%dma_start3A_15 : memref<208xi32, #tpu.memory_space<vmem>>) semaphore(%arg12 : memref<!tpu.dma_semaphore, #tpu.memory_space<semaphore_mem>>)
    %dma_start3A_19 = arith.constant 624 : i32
    %dma_start3A_20 = tpu.memref_slice %arg5[%dma_start3A_19] : memref<13312xi32, #tpu.memory_space<vmem>> -> memref<208xi32, #tpu.memory_space<vmem>>
    %dma_start3A_21 = arith.constant 0 : i32
    %dma_start3A_22 = arith.constant 0 : i32
    %dma_start3A_23 = tpu.memref_slice %arg3[%dma_start3A_21, %dma_start3A_22] : memref<1000000x128xf32, #tpu.memory_space<hbm>> -> memref<1000000x128xf32, #tpu.memory_space<hbm>>
    tpu.enqueue_indirect_dma source(%dma_start3A_23 : memref<1000000x128xf32, #tpu.memory_space<hbm>>) target(%arg9 : memref<208x128xf32, #tpu.memory_space<vmem>>) offsets(%dma_start3A_20 : memref<208xi32, #tpu.memory_space<vmem>>) semaphore(%arg13 : memref<!tpu.dma_semaphore, #tpu.memory_space<semaphore_mem>>)
    %dma_wait3A = arith.constant 0 : i32
    %dma_wait3A_24 = arith.constant 0 : i32
    %dma_wait3A_25 = tpu.memref_slice %arg3[%dma_wait3A, %dma_wait3A_24] : memref<1000000x128xf32, #tpu.memory_space<hbm>> -> memref<208x128xf32, #tpu.memory_space<hbm>>
    %dma_wait3A_26 = arith.constant 0 : i32
    %dma_wait3A_27 = arith.constant 0 : i32
    %dma_wait3A_28 = tpu.memref_slice %arg3[%dma_wait3A_26, %dma_wait3A_27] : memref<1000000x128xf32, #tpu.memory_space<hbm>> -> memref<208x128xf32, #tpu.memory_space<hbm>>
    tpu.wait_dma2 semaphore(%arg10 : memref<!tpu.dma_semaphore, #tpu.memory_space<semaphore_mem>>) src(%dma_wait3A_28 : memref<208x128xf32, #tpu.memory_space<hbm>>) dst(%arg6 : memref<208x128xf32, #tpu.memory_space<vmem>>)
    %add3A_29 = arith.constant 0 : i32
    %add3A_30 = arith.addi %mul3A_2, %add3A_29 : i32
    %mul3A_31 = arith.constant 208 : i32
    %mul3A_32 = arith.muli %add3A_30, %mul3A_31 : i32
    %dma_start3A_33 = arith.constant 0 : i32
    %dma_start3A_34 = tpu.memref_slice %arg4[%mul3A_32, %dma_start3A_33] : memref<425984x128xf32, #tpu.memory_space<hbm>> -> memref<208x128xf32, #tpu.memory_space<hbm>>
    %dma_start3A_35 = arith.constant 0 : i32
    %dma_start3A_36 = tpu.memref_slice %arg4[%mul3A_32, %dma_start3A_35] : memref<425984x128xf32, #tpu.memory_space<hbm>> -> memref<208x128xf32, #tpu.memory_space<hbm>>
    tpu.enqueue_dma source(%arg6 : memref<208x128xf32, #tpu.memory_space<vmem>>) target(%dma_start3A_36 : memref<208x128xf32, #tpu.memory_space<hbm>>) target_semaphore(%arg14 : memref<!tpu.dma_semaphore, #tpu.memory_space<semaphore_mem>>)
    %dma_wait3A_37 = arith.constant 0 : i32
    %dma_wait3A_38 = arith.constant 0 : i32
    %dma_wait3A_39 = tpu.memref_slice %arg4[%dma_wait3A_37, %dma_wait3A_38] : memref<425984x128xf32, #tpu.memory_space<hbm>> -> memref<208x128xf32, #tpu.memory_space<hbm>>
    %dma_wait3A_40 = arith.constant 0 : i32
    %dma_wait3A_41 = arith.constant 0 : i32
    %dma_wait3A_42 = tpu.memref_slice %arg4[%dma_wait3A_40, %dma_wait3A_41] : memref<425984x128xf32, #tpu.memory_space<hbm>> -> memref<208x128xf32, #tpu.memory_space<hbm>>
    tpu.wait_dma2 semaphore(%arg14 : memref<!tpu.dma_semaphore, #tpu.memory_space<semaphore_mem>>) src(%arg6 : memref<208x128xf32, #tpu.memory_space<vmem>>) dst(%dma_wait3A_42 : memref<208x128xf32, #tpu.memory_space<hbm>>)
    %dma_start3A_43 = arith.constant 832 : i32
    %dma_start3A_44 = tpu.memref_slice %arg5[%dma_start3A_43] : memref<13312xi32, #tpu.memory_space<vmem>> -> memref<208xi32, #tpu.memory_space<vmem>>
    %dma_start3A_45 = arith.constant 0 : i32
    %dma_start3A_46 = arith.constant 0 : i32
    %dma_start3A_47 = tpu.memref_slice %arg3[%dma_start3A_45, %dma_start3A_46] : memref<1000000x128xf32, #tpu.memory_space<hbm>> -> memref<1000000x128xf32, #tpu.memory_space<hbm>>
    tpu.enqueue_indirect_dma source(%dma_start3A_47 : memref<1000000x128xf32, #tpu.memory_space<hbm>>) target(%arg6 : memref<208x128xf32, #tpu.memory_space<vmem>>) offsets(%dma_start3A_44 : memref<208xi32, #tpu.memory_space<vmem>>) semaphore(%arg10 : memref<!tpu.dma_semaphore, #tpu.memory_space<semaphore_mem>>)
    %dma_wait3A_48 = arith.constant 0 : i32
    %dma_wait3A_49 = arith.constant 0 : i32
    %dma_wait3A_50 = tpu.memref_slice %arg3[%dma_wait3A_48, %dma_wait3A_49] : memref<1000000x128xf32, #tpu.memory_space<hbm>> -> memref<208x128xf32, #tpu.memory_space<hbm>>
    %dma_wait3A_51 = arith.constant 0 : i32
    %dma_wait3A_52 = arith.constant 0 : i32
    %dma_wait3A_53 = tpu.memref_slice %arg3[%dma_wait3A_51, %dma_wait3A_52] : memref<1000000x128xf32, #tpu.memory_space<hbm>> -> memref<208x128xf32, #tpu.memory_space<hbm>>
    tpu.wait_dma2 semaphore(%arg11 : memref<!tpu.dma_semaphore, #tpu.memory_space<semaphore_mem>>) src(%dma_wait3A_53 : memref<208x128xf32, #tpu.memory_space<hbm>>) dst(%arg7 : memref<208x128xf32, #tpu.memory_space<vmem>>)
    %add3A_54 = arith.constant 1 : i32
    %add3A_55 = arith.addi %mul3A_2, %add3A_54 : i32
    %mul3A_56 = arith.constant 208 : i32
    %mul3A_57 = arith.muli %add3A_55, %mul3A_56 : i32
    %dma_start3A_58 = arith.constant 0 : i32
    %dma_start3A_59 = tpu.memref_slice %arg4[%mul3A_57, %dma_start3A_58] : memref<425984x128xf32, #tpu.memory_space<hbm>> -> memref<208x128xf32, #tpu.memory_space<hbm>>
    %dma_start3A_60 = arith.constant 0 : i32
    %dma_start3A_61 = tpu.memref_slice %arg4[%mul3A_57, %dma_start3A_60] : memref<425984x128xf32, #tpu.memory_space<hbm>> -> memref<208x128xf32, #tpu.memory_space<hbm>>
    tpu.enqueue_dma source(%arg7 : memref<208x128xf32, #tpu.memory_space<vmem>>) target(%dma_start3A_61 : memref<208x128xf32, #tpu.memory_space<hbm>>) target_semaphore(%arg15 : memref<!tpu.dma_semaphore, #tpu.memory_space<semaphore_mem>>)
    %dma_wait3A_62 = arith.constant 0 : i32
    %dma_wait3A_63 = arith.constant 0 : i32
    %dma_wait3A_64 = tpu.memref_slice %arg4[%dma_wait3A_62, %dma_wait3A_63] : memref<425984x128xf32, #tpu.memory_space<hbm>> -> memref<208x128xf32, #tpu.memory_space<hbm>>
    %dma_wait3A_65 = arith.constant 0 : i32
    %dma_wait3A_66 = arith.constant 0 : i32
    %dma_wait3A_67 = tpu.memref_slice %arg4[%dma_wait3A_65, %dma_wait3A_66] : memref<425984x128xf32, #tpu.memory_space<hbm>> -> memref<208x128xf32, #tpu.memory_space<hbm>>
    tpu.wait_dma2 semaphore(%arg15 : memref<!tpu.dma_semaphore, #tpu.memory_space<semaphore_mem>>) src(%arg7 : memref<208x128xf32, #tpu.memory_space<vmem>>) dst(%dma_wait3A_67 : memref<208x128xf32, #tpu.memory_space<hbm>>)
    %dma_start3A_68 = arith.constant 1040 : i32
    %dma_start3A_69 = tpu.memref_slice %arg5[%dma_start3A_68] : memref<13312xi32, #tpu.memory_space<vmem>> -> memref<208xi32, #tpu.memory_space<vmem>>
    %dma_start3A_70 = arith.constant 0 : i32
    %dma_start3A_71 = arith.constant 0 : i32
    %dma_start3A_72 = tpu.memref_slice %arg3[%dma_start3A_70, %dma_start3A_71] : memref<1000000x128xf32, #tpu.memory_space<hbm>> -> memref<1000000x128xf32, #tpu.memory_space<hbm>>
    tpu.enqueue_indirect_dma source(%dma_start3A_72 : memref<1000000x128xf32, #tpu.memory_space<hbm>>) target(%arg7 : memref<208x128xf32, #tpu.memory_space<vmem>>) offsets(%dma_start3A_69 : memref<208xi32, #tpu.memory_space<vmem>>) semaphore(%arg11 : memref<!tpu.dma_semaphore, #tpu.memory_space<semaphore_mem>>)
    %dma_wait3A_73 = arith.constant 0 : i32
    %dma_wait3A_74 = arith.constant 0 : i32
    %dma_wait3A_75 = tpu.memref_slice %arg3[%dma_wait3A_73, %dma_wait3A_74] : memref<1000000x128xf32, #tpu.memory_space<hbm>> -> memref<208x128xf32, #tpu.memory_space<hbm>>
    %dma_wait3A_76 = arith.constant 0 : i32
    %dma_wait3A_77 = arith.constant 0 : i32
    %dma_wait3A_78 = tpu.memref_slice %arg3[%dma_wait3A_76, %dma_wait3A_77] : memref<1000000x128xf32, #tpu.memory_space<hbm>> -> memref<208x128xf32, #tpu.memory_space<hbm>>
    tpu.wait_dma2 semaphore(%arg12 : memref<!tpu.dma_semaphore, #tpu.memory_space<semaphore_mem>>) src(%dma_wait3A_78 : memref<208x128xf32, #tpu.memory_space<hbm>>) dst(%arg8 : memref<208x128xf32, #tpu.memory_space<vmem>>)
    %add3A_79 = arith.constant 2 : i32
    %add3A_80 = arith.addi %mul3A_2, %add3A_79 : i32
    %mul3A_81 = arith.constant 208 : i32
    %mul3A_82 = arith.muli %add3A_80, %mul3A_81 : i32
    %dma_start3A_83 = arith.constant 0 : i32
    %dma_start3A_84 = tpu.memref_slice %arg4[%mul3A_82, %dma_start3A_83] : memref<425984x128xf32, #tpu.memory_space<hbm>> -> memref<208x128xf32, #tpu.memory_space<hbm>>
    %dma_start3A_85 = arith.constant 0 : i32
    %dma_start3A_86 = tpu.memref_slice %arg4[%mul3A_82, %dma_start3A_85] : memref<425984x128xf32, #tpu.memory_space<hbm>> -> memref<208x128xf32, #tpu.memory_space<hbm>>
    tpu.enqueue_dma source(%arg8 : memref<208x128xf32, #tpu.memory_space<vmem>>) target(%dma_start3A_86 : memref<208x128xf32, #tpu.memory_space<hbm>>) target_semaphore(%arg16 : memref<!tpu.dma_semaphore, #tpu.memory_space<semaphore_mem>>)
    %dma_wait3A_87 = arith.constant 0 : i32
    %dma_wait3A_88 = arith.constant 0 : i32
    %dma_wait3A_89 = tpu.memref_slice %arg4[%dma_wait3A_87, %dma_wait3A_88] : memref<425984x128xf32, #tpu.memory_space<hbm>> -> memref<208x128xf32, #tpu.memory_space<hbm>>
    %dma_wait3A_90 = arith.constant 0 : i32
    %dma_wait3A_91 = arith.constant 0 : i32
    %dma_wait3A_92 = tpu.memref_slice %arg4[%dma_wait3A_90, %dma_wait3A_91] : memref<425984x128xf32, #tpu.memory_space<hbm>> -> memref<208x128xf32, #tpu.memory_space<hbm>>
    tpu.wait_dma2 semaphore(%arg16 : memref<!tpu.dma_semaphore, #tpu.memory_space<semaphore_mem>>) src(%arg8 : memref<208x128xf32, #tpu.memory_space<vmem>>) dst(%dma_wait3A_92 : memref<208x128xf32, #tpu.memory_space<hbm>>)
    %dma_start3A_93 = arith.constant 1248 : i32
    %dma_start3A_94 = tpu.memref_slice %arg5[%dma_start3A_93] : memref<13312xi32, #tpu.memory_space<vmem>> -> memref<208xi32, #tpu.memory_space<vmem>>
    %dma_start3A_95 = arith.constant 0 : i32
    %dma_start3A_96 = arith.constant 0 : i32
    %dma_start3A_97 = tpu.memref_slice %arg3[%dma_start3A_95, %dma_start3A_96] : memref<1000000x128xf32, #tpu.memory_space<hbm>> -> memref<1000000x128xf32, #tpu.memory_space<hbm>>
    tpu.enqueue_indirect_dma source(%dma_start3A_97 : memref<1000000x128xf32, #tpu.memory_space<hbm>>) target(%arg8 : memref<208x128xf32, #tpu.memory_space<vmem>>) offsets(%dma_start3A_94 : memref<208xi32, #tpu.memory_space<vmem>>) semaphore(%arg12 : memref<!tpu.dma_semaphore, #tpu.memory_space<semaphore_mem>>)
    %dma_wait3A_98 = arith.constant 0 : i32
    %dma_wait3A_99 = arith.constant 0 : i32
    %dma_wait3A_100 = tpu.memref_slice %arg3[%dma_wait3A_98, %dma_wait3A_99] : memref<1000000x128xf32, #tpu.memory_space<hbm>> -> memref<208x128xf32, #tpu.memory_space<hbm>>
    %dma_wait3A_101 = arith.constant 0 : i32
    %dma_wait3A_102 = arith.constant 0 : i32
    %dma_wait3A_103 = tpu.memref_slice %arg3[%dma_wait3A_101, %dma_wait3A_102] : memref<1000000x128xf32, #tpu.memory_space<hbm>> -> memref<208x128xf32, #tpu.memory_space<hbm>>
    tpu.wait_dma2 semaphore(%arg13 : memref<!tpu.dma_semaphore, #tpu.memory_space<semaphore_mem>>) src(%dma_wait3A_103 : memref<208x128xf32, #tpu.memory_space<hbm>>) dst(%arg9 : memref<208x128xf32, #tpu.memory_space<vmem>>)
    %add3A_104 = arith.constant 3 : i32
    %add3A_105 = arith.addi %mul3A_2, %add3A_104 : i32
    %mul3A_106 = arith.constant 208 : i32
    %mul3A_107 = arith.muli %add3A_105, %mul3A_106 : i32
    %dma_start3A_108 = arith.constant 0 : i32
    %dma_start3A_109 = tpu.memref_slice %arg4[%mul3A_107, %dma_start3A_108] : memref<425984x128xf32, #tpu.memory_space<hbm>> -> memref<208x128xf32, #tpu.memory_space<hbm>>
    %dma_start3A_110 = arith.constant 0 : i32
    %dma_start3A_111 = tpu.memref_slice %arg4[%mul3A_107, %dma_start3A_110] : memref<425984x128xf32, #tpu.memory_space<hbm>> -> memref<208x128xf32, #tpu.memory_space<hbm>>
    tpu.enqueue_dma source(%arg9 : memref<208x128xf32, #tpu.memory_space<vmem>>) target(%dma_start3A_111 : memref<208x128xf32, #tpu.memory_space<hbm>>) target_semaphore(%arg17 : memref<!tpu.dma_semaphore, #tpu.memory_space<semaphore_mem>>)
    %scan3A = arith.constant 0 : i32
    %scan3A_112 = arith.constant 1 : i32
    %scan3A_113 = arith.constant 14 : i32
    %scan3A_114 = arith.addi %scan3A_112, %scan3A_113 : i32
    %scan3A_115 = arith.constant 1 : i32
    scf.for %scan3A_208 = %scan3A_112 to %scan3A_114 step %scan3A_115  : i32 {
      %mul3A_209 = arith.constant 4 : i32
      %mul3A_210 = arith.muli %scan3A_208, %mul3A_209 : i32
      %add3A_211 = arith.constant 0 : i32
      %add3A_212 = arith.addi %mul3A_210, %add3A_211 : i32
      %dma_wait3A_213 = arith.constant 0 : i32
      %dma_wait3A_214 = arith.constant 0 : i32
      %dma_wait3A_215 = tpu.memref_slice %arg4[%dma_wait3A_213, %dma_wait3A_214] : memref<425984x128xf32, #tpu.memory_space<hbm>> -> memref<208x128xf32, #tpu.memory_space<hbm>>
      %dma_wait3A_216 = arith.constant 0 : i32
      %dma_wait3A_217 = arith.constant 0 : i32
      %dma_wait3A_218 = tpu.memref_slice %arg4[%dma_wait3A_216, %dma_wait3A_217] : memref<425984x128xf32, #tpu.memory_space<hbm>> -> memref<208x128xf32, #tpu.memory_space<hbm>>
      tpu.wait_dma2 semaphore(%arg17 : memref<!tpu.dma_semaphore, #tpu.memory_space<semaphore_mem>>) src(%arg9 : memref<208x128xf32, #tpu.memory_space<vmem>>) dst(%dma_wait3A_218 : memref<208x128xf32, #tpu.memory_space<hbm>>)
      %add3A_219 = arith.constant 4 : i32
      %add3A_220 = arith.addi %add3A_212, %add3A_219 : i32
      %sub3A = arith.constant 1 : i32
      %sub3A_221 = arith.subi %add3A_220, %sub3A : i32
      %mul3A_222 = arith.constant 208 : i32
      %mul3A_223 = arith.muli %sub3A_221, %mul3A_222 : i32
      %dma_start3A_224 = tpu.memref_slice %arg5[%mul3A_223] : memref<13312xi32, #tpu.memory_space<vmem>> -> memref<208xi32, #tpu.memory_space<vmem>>
      %dma_start3A_225 = arith.constant 0 : i32
      %dma_start3A_226 = arith.constant 0 : i32
      %dma_start3A_227 = tpu.memref_slice %arg3[%dma_start3A_225, %dma_start3A_226] : memref<1000000x128xf32, #tpu.memory_space<hbm>> -> memref<1000000x128xf32, #tpu.memory_space<hbm>>
      tpu.enqueue_indirect_dma source(%dma_start3A_227 : memref<1000000x128xf32, #tpu.memory_space<hbm>>) target(%arg9 : memref<208x128xf32, #tpu.memory_space<vmem>>) offsets(%dma_start3A_224 : memref<208xi32, #tpu.memory_space<vmem>>) semaphore(%arg13 : memref<!tpu.dma_semaphore, #tpu.memory_space<semaphore_mem>>)
      %dma_wait3A_228 = arith.constant 0 : i32
      %dma_wait3A_229 = arith.constant 0 : i32
      %dma_wait3A_230 = tpu.memref_slice %arg3[%dma_wait3A_228, %dma_wait3A_229] : memref<1000000x128xf32, #tpu.memory_space<hbm>> -> memref<208x128xf32, #tpu.memory_space<hbm>>
      %dma_wait3A_231 = arith.constant 0 : i32
      %dma_wait3A_232 = arith.constant 0 : i32
      %dma_wait3A_233 = tpu.memref_slice %arg3[%dma_wait3A_231, %dma_wait3A_232] : memref<1000000x128xf32, #tpu.memory_space<hbm>> -> memref<208x128xf32, #tpu.memory_space<hbm>>
      tpu.wait_dma2 semaphore(%arg10 : memref<!tpu.dma_semaphore, #tpu.memory_space<semaphore_mem>>) src(%dma_wait3A_233 : memref<208x128xf32, #tpu.memory_space<hbm>>) dst(%arg6 : memref<208x128xf32, #tpu.memory_space<vmem>>)
      %add3A_234 = arith.addi %mul3A_2, %add3A_212 : i32
      %mul3A_235 = arith.constant 208 : i32
      %mul3A_236 = arith.muli %add3A_234, %mul3A_235 : i32
      %dma_start3A_237 = arith.constant 0 : i32
      %dma_start3A_238 = tpu.memref_slice %arg4[%mul3A_236, %dma_start3A_237] : memref<425984x128xf32, #tpu.memory_space<hbm>> -> memref<208x128xf32, #tpu.memory_space<hbm>>
      %dma_start3A_239 = arith.constant 0 : i32
      %dma_start3A_240 = tpu.memref_slice %arg4[%mul3A_236, %dma_start3A_239] : memref<425984x128xf32, #tpu.memory_space<hbm>> -> memref<208x128xf32, #tpu.memory_space<hbm>>
      tpu.enqueue_dma source(%arg6 : memref<208x128xf32, #tpu.memory_space<vmem>>) target(%dma_start3A_240 : memref<208x128xf32, #tpu.memory_space<hbm>>) target_semaphore(%arg14 : memref<!tpu.dma_semaphore, #tpu.memory_space<semaphore_mem>>)
      %add3A_241 = arith.constant 1 : i32
      %add3A_242 = arith.addi %mul3A_210, %add3A_241 : i32
      %dma_wait3A_243 = arith.constant 0 : i32
      %dma_wait3A_244 = arith.constant 0 : i32
      %dma_wait3A_245 = tpu.memref_slice %arg4[%dma_wait3A_243, %dma_wait3A_244] : memref<425984x128xf32, #tpu.memory_space<hbm>> -> memref<208x128xf32, #tpu.memory_space<hbm>>
      %dma_wait3A_246 = arith.constant 0 : i32
      %dma_wait3A_247 = arith.constant 0 : i32
      %dma_wait3A_248 = tpu.memref_slice %arg4[%dma_wait3A_246, %dma_wait3A_247] : memref<425984x128xf32, #tpu.memory_space<hbm>> -> memref<208x128xf32, #tpu.memory_space<hbm>>
      tpu.wait_dma2 semaphore(%arg14 : memref<!tpu.dma_semaphore, #tpu.memory_space<semaphore_mem>>) src(%arg6 : memref<208x128xf32, #tpu.memory_space<vmem>>) dst(%dma_wait3A_248 : memref<208x128xf32, #tpu.memory_space<hbm>>)
      %add3A_249 = arith.constant 4 : i32
      %add3A_250 = arith.addi %add3A_242, %add3A_249 : i32
      %sub3A_251 = arith.constant 1 : i32
      %sub3A_252 = arith.subi %add3A_250, %sub3A_251 : i32
      %mul3A_253 = arith.constant 208 : i32
      %mul3A_254 = arith.muli %sub3A_252, %mul3A_253 : i32
      %dma_start3A_255 = tpu.memref_slice %arg5[%mul3A_254] : memref<13312xi32, #tpu.memory_space<vmem>> -> memref<208xi32, #tpu.memory_space<vmem>>
      %dma_start3A_256 = arith.constant 0 : i32
      %dma_start3A_257 = arith.constant 0 : i32
      %dma_start3A_258 = tpu.memref_slice %arg3[%dma_start3A_256, %dma_start3A_257] : memref<1000000x128xf32, #tpu.memory_space<hbm>> -> memref<1000000x128xf32, #tpu.memory_space<hbm>>
      tpu.enqueue_indirect_dma source(%dma_start3A_258 : memref<1000000x128xf32, #tpu.memory_space<hbm>>) target(%arg6 : memref<208x128xf32, #tpu.memory_space<vmem>>) offsets(%dma_start3A_255 : memref<208xi32, #tpu.memory_space<vmem>>) semaphore(%arg10 : memref<!tpu.dma_semaphore, #tpu.memory_space<semaphore_mem>>)
      %dma_wait3A_259 = arith.constant 0 : i32
      %dma_wait3A_260 = arith.constant 0 : i32
      %dma_wait3A_261 = tpu.memref_slice %arg3[%dma_wait3A_259, %dma_wait3A_260] : memref<1000000x128xf32, #tpu.memory_space<hbm>> -> memref<208x128xf32, #tpu.memory_space<hbm>>
      %dma_wait3A_262 = arith.constant 0 : i32
      %dma_wait3A_263 = arith.constant 0 : i32
      %dma_wait3A_264 = tpu.memref_slice %arg3[%dma_wait3A_262, %dma_wait3A_263] : memref<1000000x128xf32, #tpu.memory_space<hbm>> -> memref<208x128xf32, #tpu.memory_space<hbm>>
      tpu.wait_dma2 semaphore(%arg11 : memref<!tpu.dma_semaphore, #tpu.memory_space<semaphore_mem>>) src(%dma_wait3A_264 : memref<208x128xf32, #tpu.memory_space<hbm>>) dst(%arg7 : memref<208x128xf32, #tpu.memory_space<vmem>>)
      %add3A_265 = arith.addi %mul3A_2, %add3A_242 : i32
      %mul3A_266 = arith.constant 208 : i32
      %mul3A_267 = arith.muli %add3A_265, %mul3A_266 : i32
      %dma_start3A_268 = arith.constant 0 : i32
      %dma_start3A_269 = tpu.memref_slice %arg4[%mul3A_267, %dma_start3A_268] : memref<425984x128xf32, #tpu.memory_space<hbm>> -> memref<208x128xf32, #tpu.memory_space<hbm>>
      %dma_start3A_270 = arith.constant 0 : i32
      %dma_start3A_271 = tpu.memref_slice %arg4[%mul3A_267, %dma_start3A_270] : memref<425984x128xf32, #tpu.memory_space<hbm>> -> memref<208x128xf32, #tpu.memory_space<hbm>>
      tpu.enqueue_dma source(%arg7 : memref<208x128xf32, #tpu.memory_space<vmem>>) target(%dma_start3A_271 : memref<208x128xf32, #tpu.memory_space<hbm>>) target_semaphore(%arg15 : memref<!tpu.dma_semaphore, #tpu.memory_space<semaphore_mem>>)
      %add3A_272 = arith.constant 2 : i32
      %add3A_273 = arith.addi %mul3A_210, %add3A_272 : i32
      %dma_wait3A_274 = arith.constant 0 : i32
      %dma_wait3A_275 = arith.constant 0 : i32
      %dma_wait3A_276 = tpu.memref_slice %arg4[%dma_wait3A_274, %dma_wait3A_275] : memref<425984x128xf32, #tpu.memory_space<hbm>> -> memref<208x128xf32, #tpu.memory_space<hbm>>
      %dma_wait3A_277 = arith.constant 0 : i32
      %dma_wait3A_278 = arith.constant 0 : i32
      %dma_wait3A_279 = tpu.memref_slice %arg4[%dma_wait3A_277, %dma_wait3A_278] : memref<425984x128xf32, #tpu.memory_space<hbm>> -> memref<208x128xf32, #tpu.memory_space<hbm>>
      tpu.wait_dma2 semaphore(%arg15 : memref<!tpu.dma_semaphore, #tpu.memory_space<semaphore_mem>>) src(%arg7 : memref<208x128xf32, #tpu.memory_space<vmem>>) dst(%dma_wait3A_279 : memref<208x128xf32, #tpu.memory_space<hbm>>)
      %add3A_280 = arith.constant 4 : i32
      %add3A_281 = arith.addi %add3A_273, %add3A_280 : i32
      %sub3A_282 = arith.constant 1 : i32
      %sub3A_283 = arith.subi %add3A_281, %sub3A_282 : i32
      %mul3A_284 = arith.constant 208 : i32
      %mul3A_285 = arith.muli %sub3A_283, %mul3A_284 : i32
      %dma_start3A_286 = tpu.memref_slice %arg5[%mul3A_285] : memref<13312xi32, #tpu.memory_space<vmem>> -> memref<208xi32, #tpu.memory_space<vmem>>
      %dma_start3A_287 = arith.constant 0 : i32
      %dma_start3A_288 = arith.constant 0 : i32
      %dma_start3A_289 = tpu.memref_slice %arg3[%dma_start3A_287, %dma_start3A_288] : memref<1000000x128xf32, #tpu.memory_space<hbm>> -> memref<1000000x128xf32, #tpu.memory_space<hbm>>
      tpu.enqueue_indirect_dma source(%dma_start3A_289 : memref<1000000x128xf32, #tpu.memory_space<hbm>>) target(%arg7 : memref<208x128xf32, #tpu.memory_space<vmem>>) offsets(%dma_start3A_286 : memref<208xi32, #tpu.memory_space<vmem>>) semaphore(%arg11 : memref<!tpu.dma_semaphore, #tpu.memory_space<semaphore_mem>>)
      %dma_wait3A_290 = arith.constant 0 : i32
      %dma_wait3A_291 = arith.constant 0 : i32
      %dma_wait3A_292 = tpu.memref_slice %arg3[%dma_wait3A_290, %dma_wait3A_291] : memref<1000000x128xf32, #tpu.memory_space<hbm>> -> memref<208x128xf32, #tpu.memory_space<hbm>>
      %dma_wait3A_293 = arith.constant 0 : i32
      %dma_wait3A_294 = arith.constant 0 : i32
      %dma_wait3A_295 = tpu.memref_slice %arg3[%dma_wait3A_293, %dma_wait3A_294] : memref<1000000x128xf32, #tpu.memory_space<hbm>> -> memref<208x128xf32, #tpu.memory_space<hbm>>
      tpu.wait_dma2 semaphore(%arg12 : memref<!tpu.dma_semaphore, #tpu.memory_space<semaphore_mem>>) src(%dma_wait3A_295 : memref<208x128xf32, #tpu.memory_space<hbm>>) dst(%arg8 : memref<208x128xf32, #tpu.memory_space<vmem>>)
      %add3A_296 = arith.addi %mul3A_2, %add3A_273 : i32
      %mul3A_297 = arith.constant 208 : i32
      %mul3A_298 = arith.muli %add3A_296, %mul3A_297 : i32
      %dma_start3A_299 = arith.constant 0 : i32
      %dma_start3A_300 = tpu.memref_slice %arg4[%mul3A_298, %dma_start3A_299] : memref<425984x128xf32, #tpu.memory_space<hbm>> -> memref<208x128xf32, #tpu.memory_space<hbm>>
      %dma_start3A_301 = arith.constant 0 : i32
      %dma_start3A_302 = tpu.memref_slice %arg4[%mul3A_298, %dma_start3A_301] : memref<425984x128xf32, #tpu.memory_space<hbm>> -> memref<208x128xf32, #tpu.memory_space<hbm>>
      tpu.enqueue_dma source(%arg8 : memref<208x128xf32, #tpu.memory_space<vmem>>) target(%dma_start3A_302 : memref<208x128xf32, #tpu.memory_space<hbm>>) target_semaphore(%arg16 : memref<!tpu.dma_semaphore, #tpu.memory_space<semaphore_mem>>)
      %add3A_303 = arith.constant 3 : i32
      %add3A_304 = arith.addi %mul3A_210, %add3A_303 : i32
      %dma_wait3A_305 = arith.constant 0 : i32
      %dma_wait3A_306 = arith.constant 0 : i32
      %dma_wait3A_307 = tpu.memref_slice %arg4[%dma_wait3A_305, %dma_wait3A_306] : memref<425984x128xf32, #tpu.memory_space<hbm>> -> memref<208x128xf32, #tpu.memory_space<hbm>>
      %dma_wait3A_308 = arith.constant 0 : i32
      %dma_wait3A_309 = arith.constant 0 : i32
      %dma_wait3A_310 = tpu.memref_slice %arg4[%dma_wait3A_308, %dma_wait3A_309] : memref<425984x128xf32, #tpu.memory_space<hbm>> -> memref<208x128xf32, #tpu.memory_space<hbm>>
      tpu.wait_dma2 semaphore(%arg16 : memref<!tpu.dma_semaphore, #tpu.memory_space<semaphore_mem>>) src(%arg8 : memref<208x128xf32, #tpu.memory_space<vmem>>) dst(%dma_wait3A_310 : memref<208x128xf32, #tpu.memory_space<hbm>>)
      %add3A_311 = arith.constant 4 : i32
      %add3A_312 = arith.addi %add3A_304, %add3A_311 : i32
      %sub3A_313 = arith.constant 1 : i32
      %sub3A_314 = arith.subi %add3A_312, %sub3A_313 : i32
      %mul3A_315 = arith.constant 208 : i32
      %mul3A_316 = arith.muli %sub3A_314, %mul3A_315 : i32
      %dma_start3A_317 = tpu.memref_slice %arg5[%mul3A_316] : memref<13312xi32, #tpu.memory_space<vmem>> -> memref<208xi32, #tpu.memory_space<vmem>>
      %dma_start3A_318 = arith.constant 0 : i32
      %dma_start3A_319 = arith.constant 0 : i32
      %dma_start3A_320 = tpu.memref_slice %arg3[%dma_start3A_318, %dma_start3A_319] : memref<1000000x128xf32, #tpu.memory_space<hbm>> -> memref<1000000x128xf32, #tpu.memory_space<hbm>>
      tpu.enqueue_indirect_dma source(%dma_start3A_320 : memref<1000000x128xf32, #tpu.memory_space<hbm>>) target(%arg8 : memref<208x128xf32, #tpu.memory_space<vmem>>) offsets(%dma_start3A_317 : memref<208xi32, #tpu.memory_space<vmem>>) semaphore(%arg12 : memref<!tpu.dma_semaphore, #tpu.memory_space<semaphore_mem>>)
      %dma_wait3A_321 = arith.constant 0 : i32
      %dma_wait3A_322 = arith.constant 0 : i32
      %dma_wait3A_323 = tpu.memref_slice %arg3[%dma_wait3A_321, %dma_wait3A_322] : memref<1000000x128xf32, #tpu.memory_space<hbm>> -> memref<208x128xf32, #tpu.memory_space<hbm>>
      %dma_wait3A_324 = arith.constant 0 : i32
      %dma_wait3A_325 = arith.constant 0 : i32
      %dma_wait3A_326 = tpu.memref_slice %arg3[%dma_wait3A_324, %dma_wait3A_325] : memref<1000000x128xf32, #tpu.memory_space<hbm>> -> memref<208x128xf32, #tpu.memory_space<hbm>>
      tpu.wait_dma2 semaphore(%arg13 : memref<!tpu.dma_semaphore, #tpu.memory_space<semaphore_mem>>) src(%dma_wait3A_326 : memref<208x128xf32, #tpu.memory_space<hbm>>) dst(%arg9 : memref<208x128xf32, #tpu.memory_space<vmem>>)
      %add3A_327 = arith.addi %mul3A_2, %add3A_304 : i32
      %mul3A_328 = arith.constant 208 : i32
      %mul3A_329 = arith.muli %add3A_327, %mul3A_328 : i32
      %dma_start3A_330 = arith.constant 0 : i32
      %dma_start3A_331 = tpu.memref_slice %arg4[%mul3A_329, %dma_start3A_330] : memref<425984x128xf32, #tpu.memory_space<hbm>> -> memref<208x128xf32, #tpu.memory_space<hbm>>
      %dma_start3A_332 = arith.constant 0 : i32
      %dma_start3A_333 = tpu.memref_slice %arg4[%mul3A_329, %dma_start3A_332] : memref<425984x128xf32, #tpu.memory_space<hbm>> -> memref<208x128xf32, #tpu.memory_space<hbm>>
      tpu.enqueue_dma source(%arg9 : memref<208x128xf32, #tpu.memory_space<vmem>>) target(%dma_start3A_333 : memref<208x128xf32, #tpu.memory_space<hbm>>) target_semaphore(%arg17 : memref<!tpu.dma_semaphore, #tpu.memory_space<semaphore_mem>>)
    }
    %scan3A_116 = arith.constant 14 : i32
    %dma_wait3A_117 = arith.constant 0 : i32
    %dma_wait3A_118 = arith.constant 0 : i32
    %dma_wait3A_119 = tpu.memref_slice %arg4[%dma_wait3A_117, %dma_wait3A_118] : memref<425984x128xf32, #tpu.memory_space<hbm>> -> memref<208x128xf32, #tpu.memory_space<hbm>>
    %dma_wait3A_120 = arith.constant 0 : i32
    %dma_wait3A_121 = arith.constant 0 : i32
    %dma_wait3A_122 = tpu.memref_slice %arg4[%dma_wait3A_120, %dma_wait3A_121] : memref<425984x128xf32, #tpu.memory_space<hbm>> -> memref<208x128xf32, #tpu.memory_space<hbm>>
    tpu.wait_dma2 semaphore(%arg17 : memref<!tpu.dma_semaphore, #tpu.memory_space<semaphore_mem>>) src(%arg9 : memref<208x128xf32, #tpu.memory_space<vmem>>) dst(%dma_wait3A_122 : memref<208x128xf32, #tpu.memory_space<hbm>>)
    %dma_start3A_123 = arith.constant 13104 : i32
    %dma_start3A_124 = tpu.memref_slice %arg5[%dma_start3A_123] : memref<13312xi32, #tpu.memory_space<vmem>> -> memref<208xi32, #tpu.memory_space<vmem>>
    %dma_start3A_125 = arith.constant 0 : i32
    %dma_start3A_126 = arith.constant 0 : i32
    %dma_start3A_127 = tpu.memref_slice %arg3[%dma_start3A_125, %dma_start3A_126] : memref<1000000x128xf32, #tpu.memory_space<hbm>> -> memref<1000000x128xf32, #tpu.memory_space<hbm>>
    tpu.enqueue_indirect_dma source(%dma_start3A_127 : memref<1000000x128xf32, #tpu.memory_space<hbm>>) target(%arg9 : memref<208x128xf32, #tpu.memory_space<vmem>>) offsets(%dma_start3A_124 : memref<208xi32, #tpu.memory_space<vmem>>) semaphore(%arg13 : memref<!tpu.dma_semaphore, #tpu.memory_space<semaphore_mem>>)
    %dma_wait3A_128 = arith.constant 0 : i32
    %dma_wait3A_129 = arith.constant 0 : i32
    %dma_wait3A_130 = tpu.memref_slice %arg3[%dma_wait3A_128, %dma_wait3A_129] : memref<1000000x128xf32, #tpu.memory_space<hbm>> -> memref<208x128xf32, #tpu.memory_space<hbm>>
    %dma_wait3A_131 = arith.constant 0 : i32
    %dma_wait3A_132 = arith.constant 0 : i32
    %dma_wait3A_133 = tpu.memref_slice %arg3[%dma_wait3A_131, %dma_wait3A_132] : memref<1000000x128xf32, #tpu.memory_space<hbm>> -> memref<208x128xf32, #tpu.memory_space<hbm>>
    tpu.wait_dma2 semaphore(%arg10 : memref<!tpu.dma_semaphore, #tpu.memory_space<semaphore_mem>>) src(%dma_wait3A_133 : memref<208x128xf32, #tpu.memory_space<hbm>>) dst(%arg6 : memref<208x128xf32, #tpu.memory_space<vmem>>)
    %add3A_134 = arith.constant 60 : i32
    %add3A_135 = arith.addi %mul3A_2, %add3A_134 : i32
    %mul3A_136 = arith.constant 208 : i32
    %mul3A_137 = arith.muli %add3A_135, %mul3A_136 : i32
    %dma_start3A_138 = arith.constant 0 : i32
    %dma_start3A_139 = tpu.memref_slice %arg4[%mul3A_137, %dma_start3A_138] : memref<425984x128xf32, #tpu.memory_space<hbm>> -> memref<208x128xf32, #tpu.memory_space<hbm>>
    %dma_start3A_140 = arith.constant 0 : i32
    %dma_start3A_141 = tpu.memref_slice %arg4[%mul3A_137, %dma_start3A_140] : memref<425984x128xf32, #tpu.memory_space<hbm>> -> memref<208x128xf32, #tpu.memory_space<hbm>>
    tpu.enqueue_dma source(%arg6 : memref<208x128xf32, #tpu.memory_space<vmem>>) target(%dma_start3A_141 : memref<208x128xf32, #tpu.memory_space<hbm>>) target_semaphore(%arg14 : memref<!tpu.dma_semaphore, #tpu.memory_space<semaphore_mem>>)
    %dma_wait3A_142 = arith.constant 0 : i32
    %dma_wait3A_143 = arith.constant 0 : i32
    %dma_wait3A_144 = tpu.memref_slice %arg3[%dma_wait3A_142, %dma_wait3A_143] : memref<1000000x128xf32, #tpu.memory_space<hbm>> -> memref<208x128xf32, #tpu.memory_space<hbm>>
    %dma_wait3A_145 = arith.constant 0 : i32
    %dma_wait3A_146 = arith.constant 0 : i32
    %dma_wait3A_147 = tpu.memref_slice %arg3[%dma_wait3A_145, %dma_wait3A_146] : memref<1000000x128xf32, #tpu.memory_space<hbm>> -> memref<208x128xf32, #tpu.memory_space<hbm>>
    tpu.wait_dma2 semaphore(%arg11 : memref<!tpu.dma_semaphore, #tpu.memory_space<semaphore_mem>>) src(%dma_wait3A_147 : memref<208x128xf32, #tpu.memory_space<hbm>>) dst(%arg7 : memref<208x128xf32, #tpu.memory_space<vmem>>)
    %add3A_148 = arith.constant 61 : i32
    %add3A_149 = arith.addi %mul3A_2, %add3A_148 : i32
    %mul3A_150 = arith.constant 208 : i32
    %mul3A_151 = arith.muli %add3A_149, %mul3A_150 : i32
    %dma_start3A_152 = arith.constant 0 : i32
    %dma_start3A_153 = tpu.memref_slice %arg4[%mul3A_151, %dma_start3A_152] : memref<425984x128xf32, #tpu.memory_space<hbm>> -> memref<208x128xf32, #tpu.memory_space<hbm>>
    %dma_start3A_154 = arith.constant 0 : i32
    %dma_start3A_155 = tpu.memref_slice %arg4[%mul3A_151, %dma_start3A_154] : memref<425984x128xf32, #tpu.memory_space<hbm>> -> memref<208x128xf32, #tpu.memory_space<hbm>>
    tpu.enqueue_dma source(%arg7 : memref<208x128xf32, #tpu.memory_space<vmem>>) target(%dma_start3A_155 : memref<208x128xf32, #tpu.memory_space<hbm>>) target_semaphore(%arg15 : memref<!tpu.dma_semaphore, #tpu.memory_space<semaphore_mem>>)
    %dma_wait3A_156 = arith.constant 0 : i32
    %dma_wait3A_157 = arith.constant 0 : i32
    %dma_wait3A_158 = tpu.memref_slice %arg3[%dma_wait3A_156, %dma_wait3A_157] : memref<1000000x128xf32, #tpu.memory_space<hbm>> -> memref<208x128xf32, #tpu.memory_space<hbm>>
    %dma_wait3A_159 = arith.constant 0 : i32
    %dma_wait3A_160 = arith.constant 0 : i32
    %dma_wait3A_161 = tpu.memref_slice %arg3[%dma_wait3A_159, %dma_wait3A_160] : memref<1000000x128xf32, #tpu.memory_space<hbm>> -> memref<208x128xf32, #tpu.memory_space<hbm>>
    tpu.wait_dma2 semaphore(%arg12 : memref<!tpu.dma_semaphore, #tpu.memory_space<semaphore_mem>>) src(%dma_wait3A_161 : memref<208x128xf32, #tpu.memory_space<hbm>>) dst(%arg8 : memref<208x128xf32, #tpu.memory_space<vmem>>)
    %add3A_162 = arith.constant 62 : i32
    %add3A_163 = arith.addi %mul3A_2, %add3A_162 : i32
    %mul3A_164 = arith.constant 208 : i32
    %mul3A_165 = arith.muli %add3A_163, %mul3A_164 : i32
    %dma_start3A_166 = arith.constant 0 : i32
    %dma_start3A_167 = tpu.memref_slice %arg4[%mul3A_165, %dma_start3A_166] : memref<425984x128xf32, #tpu.memory_space<hbm>> -> memref<208x128xf32, #tpu.memory_space<hbm>>
    %dma_start3A_168 = arith.constant 0 : i32
    %dma_start3A_169 = tpu.memref_slice %arg4[%mul3A_165, %dma_start3A_168] : memref<425984x128xf32, #tpu.memory_space<hbm>> -> memref<208x128xf32, #tpu.memory_space<hbm>>
    tpu.enqueue_dma source(%arg8 : memref<208x128xf32, #tpu.memory_space<vmem>>) target(%dma_start3A_169 : memref<208x128xf32, #tpu.memory_space<hbm>>) target_semaphore(%arg16 : memref<!tpu.dma_semaphore, #tpu.memory_space<semaphore_mem>>)
    %dma_wait3A_170 = arith.constant 0 : i32
    %dma_wait3A_171 = arith.constant 0 : i32
    %dma_wait3A_172 = tpu.memref_slice %arg3[%dma_wait3A_170, %dma_wait3A_171] : memref<1000000x128xf32, #tpu.memory_space<hbm>> -> memref<208x128xf32, #tpu.memory_space<hbm>>
    %dma_wait3A_173 = arith.constant 0 : i32
    %dma_wait3A_174 = arith.constant 0 : i32
    %dma_wait3A_175 = tpu.memref_slice %arg3[%dma_wait3A_173, %dma_wait3A_174] : memref<1000000x128xf32, #tpu.memory_space<hbm>> -> memref<208x128xf32, #tpu.memory_space<hbm>>
    tpu.wait_dma2 semaphore(%arg13 : memref<!tpu.dma_semaphore, #tpu.memory_space<semaphore_mem>>) src(%dma_wait3A_175 : memref<208x128xf32, #tpu.memory_space<hbm>>) dst(%arg9 : memref<208x128xf32, #tpu.memory_space<vmem>>)
    %add3A_176 = arith.constant 63 : i32
    %add3A_177 = arith.addi %mul3A_2, %add3A_176 : i32
    %mul3A_178 = arith.constant 208 : i32
    %mul3A_179 = arith.muli %add3A_177, %mul3A_178 : i32
    %dma_start3A_180 = arith.constant 0 : i32
    %dma_start3A_181 = tpu.memref_slice %arg4[%mul3A_179, %dma_start3A_180] : memref<425984x128xf32, #tpu.memory_space<hbm>> -> memref<208x128xf32, #tpu.memory_space<hbm>>
    %dma_start3A_182 = arith.constant 0 : i32
    %dma_start3A_183 = tpu.memref_slice %arg4[%mul3A_179, %dma_start3A_182] : memref<425984x128xf32, #tpu.memory_space<hbm>> -> memref<208x128xf32, #tpu.memory_space<hbm>>
    tpu.enqueue_dma source(%arg9 : memref<208x128xf32, #tpu.memory_space<vmem>>) target(%dma_start3A_183 : memref<208x128xf32, #tpu.memory_space<hbm>>) target_semaphore(%arg17 : memref<!tpu.dma_semaphore, #tpu.memory_space<semaphore_mem>>)
    %dma_wait3A_184 = arith.constant 0 : i32
    %dma_wait3A_185 = arith.constant 0 : i32
    %dma_wait3A_186 = tpu.memref_slice %arg4[%dma_wait3A_184, %dma_wait3A_185] : memref<425984x128xf32, #tpu.memory_space<hbm>> -> memref<208x128xf32, #tpu.memory_space<hbm>>
    %dma_wait3A_187 = arith.constant 0 : i32
    %dma_wait3A_188 = arith.constant 0 : i32
    %dma_wait3A_189 = tpu.memref_slice %arg4[%dma_wait3A_187, %dma_wait3A_188] : memref<425984x128xf32, #tpu.memory_space<hbm>> -> memref<208x128xf32, #tpu.memory_space<hbm>>
    tpu.wait_dma2 semaphore(%arg14 : memref<!tpu.dma_semaphore, #tpu.memory_space<semaphore_mem>>) src(%arg6 : memref<208x128xf32, #tpu.memory_space<vmem>>) dst(%dma_wait3A_189 : memref<208x128xf32, #tpu.memory_space<hbm>>)
    %dma_wait3A_190 = arith.constant 0 : i32
    %dma_wait3A_191 = arith.constant 0 : i32
    %dma_wait3A_192 = tpu.memref_slice %arg4[%dma_wait3A_190, %dma_wait3A_191] : memref<425984x128xf32, #tpu.memory_space<hbm>> -> memref<208x128xf32, #tpu.memory_space<hbm>>
    %dma_wait3A_193 = arith.constant 0 : i32
    %dma_wait3A_194 = arith.constant 0 : i32
    %dma_wait3A_195 = tpu.memref_slice %arg4[%dma_wait3A_193, %dma_wait3A_194] : memref<425984x128xf32, #tpu.memory_space<hbm>> -> memref<208x128xf32, #tpu.memory_space<hbm>>
    tpu.wait_dma2 semaphore(%arg15 : memref<!tpu.dma_semaphore, #tpu.memory_space<semaphore_mem>>) src(%arg7 : memref<208x128xf32, #tpu.memory_space<vmem>>) dst(%dma_wait3A_195 : memref<208x128xf32, #tpu.memory_space<hbm>>)
    %dma_wait3A_196 = arith.constant 0 : i32
    %dma_wait3A_197 = arith.constant 0 : i32
    %dma_wait3A_198 = tpu.memref_slice %arg4[%dma_wait3A_196, %dma_wait3A_197] : memref<425984x128xf32, #tpu.memory_space<hbm>> -> memref<208x128xf32, #tpu.memory_space<hbm>>
    %dma_wait3A_199 = arith.constant 0 : i32
    %dma_wait3A_200 = arith.constant 0 : i32
    %dma_wait3A_201 = tpu.memref_slice %arg4[%dma_wait3A_199, %dma_wait3A_200] : memref<425984x128xf32, #tpu.memory_space<hbm>> -> memref<208x128xf32, #tpu.memory_space<hbm>>
    tpu.wait_dma2 semaphore(%arg16 : memref<!tpu.dma_semaphore, #tpu.memory_space<semaphore_mem>>) src(%arg8 : memref<208x128xf32, #tpu.memory_space<vmem>>) dst(%dma_wait3A_201 : memref<208x128xf32, #tpu.memory_space<hbm>>)
    %dma_wait3A_202 = arith.constant 0 : i32
    %dma_wait3A_203 = arith.constant 0 : i32
    %dma_wait3A_204 = tpu.memref_slice %arg4[%dma_wait3A_202, %dma_wait3A_203] : memref<425984x128xf32, #tpu.memory_space<hbm>> -> memref<208x128xf32, #tpu.memory_space<hbm>>
    %dma_wait3A_205 = arith.constant 0 : i32
    %dma_wait3A_206 = arith.constant 0 : i32
    %dma_wait3A_207 = tpu.memref_slice %arg4[%dma_wait3A_205, %dma_wait3A_206] : memref<425984x128xf32, #tpu.memory_space<hbm>> -> memref<208x128xf32, #tpu.memory_space<hbm>>
    tpu.wait_dma2 semaphore(%arg17 : memref<!tpu.dma_semaphore, #tpu.memory_space<semaphore_mem>>) src(%arg9 : memref<208x128xf32, #tpu.memory_space<vmem>>) dst(%dma_wait3A_207 : memref<208x128xf32, #tpu.memory_space<hbm>>)
    return
  }
}

</mosaic_0001>

<sc_bundles>
// kernel: kernel.3.cloned.1.call-start
scs
__scs_entry_jumppad:
0x0: {  	(pc) =	sbr.rel $0x88, $3  }
0x1: {  	(tag) =	ssettag $0x0;
	lr =	simm.s32 $0x1  }
0x2: {  	[smem:$0x3F9F] =	sst lr;
	_ =	strace $0xD0000000  }
0x3: {  	_ = 	snop  }
0x4: {  	_ = 	snop  }
0x5: {  	_ = 	snop  }
0x6: {  	_ = 	snop  }
0x7: {  	_ = 	snop  }
__scs_overlays_trampoline_lowered:
0x8: {  	[smem:$0x3FAE] =	sst s0  }
0x9: {  	[smem:$0x3FAF] =	sst s1  }
0xa: {  	[smem:$0x3FB0] =	sst s2  }
0xb: {  	[smem:$0x3FB1] =	sst s3  }
0xc: {  	[smem:$0x3FB2] =	sst s4  }
0xd: {  	[smem:$0x3FB3] =	sst s5  }
0xe: {  	[smem:$0x3FB4] =	sst s6  }
0xf: {  	[smem:$0x3FB5] =	sst s7  }
0x10: {  	[smem:$0x3FB6] =	sst s8  }
0x11: {  	[smem:$0x3FB7] =	sst s9;
	s0 =	simm.s32 @!p0 $0x0  }
0x12: {  	s1 =	sld [smem:$0x3F9D];
	s0 =	simm.s32 @p0 $0x1  }
0x13: {  	[smem:$0x3FB8] =	sst s0;
	s0 =	simm.s32 @!p1 $0x0  }
0x14: {  	s2 =	sld [smem:$0x3F9C];
	s0 =	simm.s32 @p1 $0x1  }
0x15: {  	[smem:$0x3FB9] =	sst s0;
	s0 =	simm.s32 @!p2 $0x0  }
0x16: {  	s3 =	sld [smem:$0x3FDB];
	s0 =	simm.s32 @p2 $0x1  }
0x17: {  	s4 =	simm.s32 $0x1BF5;
	[smem:$0x3FBB] =	sst s0  }
0x18: {  	s0 =	sld [smem:$0x3F9E];
	_ =	swait.ge [sflag:s4], $0x0  }
0x19: {  	s7 =	sld [smem:$0x3F9F]  }
0x1a: {  	s8 =	sadd.s32 $0xFFFFE003, lr  }
0x1b: {  	s9 =	sadd.s32 $0xFFFFFEF7, lr;
	s5 =	simm.s32 $0xFFFFFFFF;
	p2 =	slt.u32 s8, $0xFFFFF086  }
0x1c: {  	p1 =	slt.u32 s9, $0xF7A;
	s5 =	simm.s32 @!p2 $0x0  }
0x1d: {  	s5 =	simm.s32 @p1 $0x1;
	p0 =	seq.s32 s7, s2  }
0x1e: {  	s7 =	smul.u32 @!p0 $0xF7A, s2;
	p2 =	seq.s32 @!p0 s5, $0x0  }
0x1f: {  	s9 =	smul.u32 $0xF7A, s1;
	s8 =	simm.s32 @!p0 $0x1BF5;
	p2 =	por !p2, p0  }
0x20: {  	[sflag:s8] =	ssyncset.s32 @!p0 $0xFFFFF086;
	s6 =	sadd.s32 @!p0 s3, s7;
	s7 =	simm.s32 @!p0 $0x108  }
0x21: {  	s3 =	sadd.s32 s3, s9;
	s6 =	sadd.s32 @!p0 $0x88, s6;
	s7 =	simm.s32 @p2 $0x1082  }
0x22: {  	[simem:s7], [sflag:s8] =	dma.local @!p0 [hbm:s6], $0xF7A  }
0x23: {  	s9 =	sor.u32 $0xD0000000, s2;
	s6 =	simm.s32 $0x108;
	_ =	swait.ge @!p0 [sflag:s8], $0x0  }
0x24: {  	s3 =	sadd.s32 $0x88, s3;
	s6 =	simm.s32 @!p1 $0x1082;
	[sflag:s4] =	ssyncset.s32 $0xFFFFF086  }
0x25: {  	[simem:s6], [sflag:s4] =	dma.local [hbm:s3], $0xF7A  }
0x26: {  	[smem:$0x3F9F] =	sst s1;
	(tag) =	ssettag s2;
	_ =	strace s9  }
0x27: {  	s1 =	sld [smem:$0x3FAF]  }
0x28: {  	s2 =	sld [smem:$0x3FB0]  }
0x29: {  	s4 =	sld [smem:$0x3FB2]  }
0x2a: {  	p0 =	seq.s32 s5, $0x0;
	s5 =	sld [smem:$0x3FB3]  }
0x2b: {  	s6 =	sld [smem:$0x3FB4]  }
0x2c: {  	s7 =	sld [smem:$0x3FB5]  }
0x2d: {  	s3 =	simm.s32 $0x108;
	s8 =	sld [smem:$0x3FB6]  }
0x2e: {  	s3 =	simm.s32 @!p0 $0x1082;
	s9 =	sld [smem:$0x3FB7]  }
0x2f: {  	lr =	sadd.s32 s0, s3;
	s0 =	sld [smem:$0x3FAE]  }
0x30: {  	s3 =	sld [smem:$0x3FB1]  }
0x31: {  	[smem:$0x3FBA] =	sst s10  }
0x32: {  	s10 =	sld [smem:$0x3FB8];
	_ =	sdelay $0x3  }
0x33: {  	p0 =	seq.s32 s10, $0x1;
	s10 =	sld [smem:$0x3FBA];
	_ =	sdelay $0x3  }
0x34: {  	[smem:$0x3FBA] =	sst s10  }
0x35: {  	s10 =	sld [smem:$0x3FB9];
	_ =	sdelay $0x3  }
0x36: {  	p1 =	seq.s32 s10, $0x1;
	s10 =	sld [smem:$0x3FBA];
	_ =	sdelay $0x3  }
0x37: {  	[smem:$0x3FBA] =	sst s10  }
0x38: {  	s10 =	sld [smem:$0x3FBB]  }
0x39: {  	_ = 	snop;
	(pc) =	sbr.ind lr, $3  }
0x3a: {  	_ = 	snop  }
0x3b: {  	_ = 	snop  }
0x3c: {  	p2 =	seq.s32 s10, $0x1;
	s10 =	sld [smem:$0x3FBA]  }
0x3d: {  	_ =	shalt  }
0x3e: {  	_ =	shalt  }
0x3f: {  	_ =	shalt  }
0x40: {  	_ =	shalt  }
0x41: {  	_ =	shalt  }
0x42: {  	_ =	shalt  }
0x43: {  	_ =	shalt  }
0x44: {  	_ =	shalt  }
0x45: {  	_ =	shalt  }
0x46: {  	_ =	shalt  }
0x47: {  	_ =	shalt  }
0x48: {  	_ =	shalt  }
0x49: {  	_ =	shalt  }
0x4a: {  	_ =	shalt  }
0x4b: {  	_ =	shalt  }
0x4c: {  	_ =	shalt  }
0x4d: {  	_ =	shalt  }
0x4e: {  	_ =	shalt  }
0x4f: {  	_ =	shalt  }
0x50: {  	_ =	shalt  }
0x51: {  	_ =	shalt  }
0x52: {  	_ =	shalt  }
0x53: {  	_ =	shalt  }
0x54: {  	_ =	shalt  }
0x55: {  	_ =	shalt  }
0x56: {  	_ =	shalt  }
0x57: {  	_ =	shalt  }
0x58: {  	_ =	shalt  }
0x59: {  	_ =	shalt  }
0x5a: {  	_ =	shalt  }
0x5b: {  	_ =	shalt  }
0x5c: {  	_ =	shalt  }
0x5d: {  	_ =	shalt  }
0x5e: {  	_ =	shalt  }
0x5f: {  	_ =	shalt  }
0x60: {  	_ =	shalt  }
0x61: {  	_ =	shalt  }
0x62: {  	_ =	shalt  }
0x63: {  	_ =	shalt  }
0x64: {  	_ =	shalt  }
0x65: {  	_ =	shalt  }
0x66: {  	_ =	shalt  }
0x67: {  	_ =	shalt  }
0x68: {  	_ =	shalt  }
0x69: {  	_ =	shalt  }
0x6a: {  	_ =	shalt  }
0x6b: {  	_ =	shalt  }
0x6c: {  	_ =	shalt  }
0x6d: {  	_ =	shalt  }
0x6e: {  	_ =	shalt  }
0x6f: {  	_ =	shalt  }
0x70: {  	_ =	shalt  }
0x71: {  	_ =	shalt  }
0x72: {  	_ =	shalt  }
0x73: {  	_ =	shalt  }
0x74: {  	_ =	shalt  }
0x75: {  	_ =	shalt  }
0x76: {  	_ =	shalt  }
0x77: {  	_ =	shalt  }
0x78: {  	_ =	shalt  }
0x79: {  	_ =	shalt  }
0x7a: {  	_ =	shalt  }
0x7b: {  	_ =	shalt  }
0x7c: {  	_ =	shalt  }
0x7d: {  	_ =	shalt  }
0x7e: {  	_ =	shalt  }
0x7f: {  	_ =	shalt  }
0x80: {  	_ =	shalt  }
0x81: {  	_ =	shalt  }
0x82: {  	_ =	shalt  }
0x83: {  	_ =	shalt  }
0x84: {  	_ =	shalt  }
0x85: {  	_ =	shalt  }
0x86: {  	_ =	shalt  }
0x87: {  	_ =	shalt  }
.Lfunc_end0:
.L_simem_size_0:
called_computation_lowered:
.L_overlay_start_0:
0x88: {  	s2 =	sld [smem:$0x3FD9]  }
0x89: {  	s3 =	sld [smem:$0x3FFE];
	_ =	sdelay $0x1  }
0x8a: {  	s1 =	srdreg.scid  }
0x8b: {  	s0 =	sand.u32 $0x1, s1  }
0x8c: {  	s17 =	sshll.u32 s0, $0xA;
	s2 =	sadd.s32 s3, s2  }
0x8d: {  	s2 =	sadd.s32 s2, s17  }
0x8e: {  	[smem:$0x3FC6] =	sst s2  }
0x8f: {  	_ = 	snop  }
0x90: {  	s2 =	sld [smem:$0x3FC8]  }
0x91: {  	s18 =	sld [smem:$0x3FD0];
	(tm) =	ssettm $0x1  }
0x92: {  	s4 =	sld [smem:$0x3FFB];
	_ =	sdelay $0x3  }
0x93: {  	_ =	strace s4  }
0x94: {  	s4 =	sld [smem:$0x3FFC];
	_ =	sdelay $0x3  }
0x95: {  	_ =	strace s4  }
0x96: {  	s4 =	sld [smem:$0x3FFD];
	_ =	sdelay $0x3  }
0x97: {  	_ =	strace s4  }
0x98: {  	_ =	strace $0x8FFFFFFF  }
0x99: {  	s19 =	sld [smem:$0x3FDB];
	_ =	sdelay $0x1  }
0x9a: {  	s5 =	simm.s32 $_scs_section_size  }
0x9b: {  	s6 =	simm.s32 $_size__tile_overlayer_lowered;
	s7 =	simm.s32 $_tile_overlayer_lowered  }
0x9c: {  	s22 =	simm.s32 $0x1BFF;
	s21 =	sshll.u32 s7, $0x1;
	s4 =	sadd.s32 s5, s19  }
0x9d: {  	s8 =	simm.s32 $0x0;
	s20 =	sshll.u32 s6, $0x1;
	s6 =	sadd.s32 s21, s4  }
0x9e: {  	[timem:s8], [sflag:s22] =	dma.local [hbm:s6], s20  }
0x9f: {  	_ =	swait.ge [sflag:s22], s20  }
0xa0: {  	s5 =	ssub.s32 $0x0, s20;
	[sflag:s22] =	ssyncset.done $0x0  }
0xa1: {  	[sflag:s22] =	ssyncadd.s32 s5;
	_ =	sdelay $0x1  }
0xa2: {  	s23 =	simm.s32 $0x1B8B  }
0xa3: {  	_ =	swait.ge [sflag:s23], $0x1  }
0xa4: {  	[sflag:s23] =	ssyncset.done $0x0  }
0xa5: {  	s25 =	simm.s32 $0x1B8E;
	s24 =	sld [smem:$0x3FFE];
	[sflag:s23] =	ssyncadd.s32 $0xFFFFFFFF  }
0xa6: {  	s26 =	simm.s32 $execute0_lowered;
	[smem:$0x3FD2] =	sst s25  }
0xa7: {  	s6 =	sshll.u32 s26, $0x1;
	_ =	strace $0x80000046;
	[dreg:$0x1] =	wrdreg $0xFFFFFFFF  }
0xa8: {  	s28 =	simm.s32 $_size_execute0_lowered;
	s4 =	sadd.s32 s4, s6;
	[dreg:$0x0] =	wrdreg $0x0  }
0xa9: {  	s6 =	sshll.u32 s28, $0x1;
	[dreg:$0x2] =	wrdreg s4  }
0xaa: {  	[dreg:$0x3] =	wrdreg s6  }
0xab: {  	[dreg:$0x4] =	wrdreg $0xC0  }
0xac: {  	_ =	task [dreg:s8], $0x5FFFF  }
0xad: {  	[dreg:$0x1] =	wrdreg $0xFFFFFFFF  }
0xae: {  	[dreg:$0x0] =	wrdreg $0x60  }
0xaf: {  	[dreg:$0x2] =	wrdreg s24  }
0xb0: {  	[dreg:$0x3] =	wrdreg s2  }
0xb1: {  	[dreg:$0x4] =	wrdreg s18  }
0xb2: {  	[dreg:$0x5] =	wrdreg $0x9  }
0xb3: {  	_ =	task.clear_ibuf [dreg:s8], $0x6FFFF;
	_ =	strace $0x90000046  }
0xb4: {  	s29 =	simm.s32 $0x9;
	_ =	strace $0x80000048  }
0xb5: {  	_ =	swait.ge [sflag:s29], $0x1  }
0xb6: {  	[sflag:s29] =	ssyncadd.s32 $0xFFFFFFFF  }
0xb7: {  	_ =	strace $0x90000048  }
0xb8: {  	_ =	sfence  }
0xb9: {  	s30 =	sld [smem:$0x0];
	_ =	sdelay $0x2  }
0xba: {  	s31 =	sshll.u32 s1, $0xD;
	s1 =	sshrl.u32 s1, $0x2  }
0xbb: {  	s3 =	sand.u32 $0x4000, s31;
	s1 =	sadd.s32 s1, s30  }
0xbc: {  	s0 =	sor.u32 s3, s0;
	s1 =	sshll.u32 s1, $0x11  }
0xbd: {  	s0 =	sor.u32 s1, s0  }
0xbe: {  	s0 =	sadd.s32 $0x8F2B, s0  }
0xbf: {  	[sflag:s0] =	ssyncadd.remote.s32 $0x1  }
0xc0: {  	_ =	sfence.sel $0xFFFF  }
0xc1: {  	[dreg:$0x0] =	wrdreg $0xFFFFFFFF;
	(pc) =	sbr.abs _section_cstart, $3  }
0xc2: {  	[dreg:$0x1] =	wrdreg $0xFFFFFFFF  }
0xc3: {  	_ =	task.clear_ibuf [dreg:s8], $0x2FFFF;
	_ =	strace $0x9FFFFFFF  }
0xc4: {  	(tm) =	ssettm $0x7FFFFFFF  }
0xc5: {  	_ =	shalt  }
tec
execute0_lowered:
.L_overlay_start_1:
0x0: {  	(tag) =	ssettag $0x1  }
0x1: {  	s0 =	rddreg [dreg:$0x0]  }
0x2: {  	s2 =	rddreg [dreg:$0x1];
	s1 =	srdreg.scid  }
0x3: {  	s9 =	stileid.u32;
	s10 =	rddreg [dreg:$0x2];
	s3 =	simm.s32 $0x0  }
0x4: {  	s15 =	simm.s32 $0x9;
	s16 =	simm.s32 $0xD0;
	s17 =	simm.s32 $0x3400  }
0x5: {  	s18 =	simm.s32 $0x9C00;
	s20 =	simm.s32 $0x10400;
	s22 =	simm.s32 $0x16C00  }
0x6: {  	s23 =	simm.s32 $0x1;
	s24 =	simm.s32 $0x5;
	s28 =	simm.s32 $0x6  }
0x7: {  	s30 =	simm.s32 $0x3;
	s31 =	simm.s32 $0x7;
	s19 =	simm.s32 $0x8  }
0x8: {  	s1 =	sand.u32 $0x1, s1;
	s4 =	sshll.u32 s9, $0x1;
	s11 =	smul.u32 $0x68000, s9  }
0x9: {  	s4 =	sor.u32 s1, s4;
	s6 =	ssub.s32 $0x2, s1;
	s1 =	smul.u32 $0x34000, s1  }
0xa: {  	s25 =	simm.s32 $0x0;
	[smem:$0x7FF] =	sst s3;
	s5 =	smul.u32 $0x680, s4  }
0xb: {  	_ =	strace $0x80000047;
	s7 =	smul.u32 $0x34000, s4;
	s26 =	sshrl.u32 s6, $0x1  }
0xc: {  	s8 =	smul.u32 $0x1A0000, s4;
	s12 =	sadd.s32 s11, s10;
	s13 =	ssub.s32 s6, s26  }
0xd: {  	s1 =	sadd.s32 s1, s12;
	s26 =	simm.s32 $0x2;
	s0 =	sadd.s32 s5, s0  }
0xe: {  	s5 =	sadd.s32 s10, s7;
	s29 =	sshrl.u32 s8, $0x3;
	s13 =	smax.u32 s13, $0x1  }
0xf: {  	s14 =	sadd.s32 $0x3400, s1;
	s0 =	sadd.s32 $0x400, s0;
	s6 =	sadd.s32 $0xD00, s5  }
0x10: {  	s7 =	sadd.s32 $0x1A00, s5;
	[dreg:$0x4] =	wrdreg s0;
	s0 =	sadd.s32 s10, s29  }
0x11: {  	s8 =	sadd.s32 $0x2700, s5;
	s9 =	sadd.s32 $0x30C00, s0;
	s10 =	sadd.s32 $0x31900, s0  }
0x12: {  	s11 =	sadd.s32 $0x32600, s0;
	s12 =	sadd.s32 $0x33300, s0;
	s0 =	simm.s32 $0x4  }
.LBB2_1:
0x13: {  	s1 =	rddreg [dreg:$0x4]  }
0x14: {  	[tilespmem:s3], [sflag:$0x9] =	stream.linear.gather [hbm4b:s1+s3], $0x3400, $0x38;
	[tilespmem:$0x1D400] =	vst v63  }
0x15: {  	_ =	swait.ge [sflag:s15], $0x3400  }
0x16: {  	[sflag:s15] =	ssyncset.done $0x0  }
0x17: {  	[sflag:s15] =	ssyncadd.s32 $0xFFFFCC00  }
0x18: {  	[tilespmem:s17], [sflag:$0x1] =	stream.indirect.gather [hbm4b:s2+s16], $0x80, s3, s16, $0xb8;
	[tilespmem:$0x1D400] =	vst v63  }
0x19: {  	_ = 	snop  }
0x1a: {  	[tilespmem:s18], [sflag:$0x2] =	stream.indirect.gather [hbm4b:s2+s16], $0x80, s16, s16, $0xb8;
	[tilespmem:$0x1D400] =	vst v63  }
0x1b: {  	s21 =	simm.s32 $0x1A0  }
0x1c: {  	[tilespmem:s20], [sflag:$0x3] =	stream.indirect.gather [hbm4b:s2+s16], $0x80, s21, s16, $0xb8;
	[tilespmem:$0x1D400] =	vst v63  }
0x1d: {  	s4 =	simm.s32 $0x270  }
0x1e: {  	[tilespmem:s22], [sflag:$0x4] =	stream.indirect.gather [hbm4b:s2+s16], $0x80, s4, s16, $0xb8;
	[tilespmem:$0x1D400] =	vst v63  }
0x1f: {  	_ =	swait.ge [sflag:s23], $0x6800  }
0x20: {  	[sflag:s23] =	ssyncset.done $0x0  }
0x21: {  	[sflag:s23] =	ssyncadd.s32 $0xFFFF9800  }
0x22: {  	[hbm4b:s5+s3] =	stream.linear.scatter [tilespmem:s17], [sflag:$0x5], $0x6800, $0x38;
	[tilespmem:$0x1D400] =	vst v63  }
0x23: {  	_ =	swait.ge [sflag:s24], $0x6800  }
0x24: {  	[sflag:s24] =	ssyncset.done $0x0  }
0x25: {  	s21 =	simm.s32 $0x340;
	[sflag:s24] =	ssyncadd.s32 $0xFFFF9800  }
0x26: {  	[tilespmem:s17], [sflag:$0x1] =	stream.indirect.gather [hbm4b:s2+s16], $0x80, s21, s16, $0xb8;
	[tilespmem:$0x1D400] =	vst v63  }
0x27: {  	_ =	swait.ge [sflag:s26], $0x6800  }
0x28: {  	[sflag:s26] =	ssyncset.done $0x0  }
0x29: {  	[sflag:s26] =	ssyncadd.s32 $0xFFFF9800  }
0x2a: {  	[hbm4b:s6+s3] =	stream.linear.scatter [tilespmem:s18], [sflag:$0x6], $0x6800, $0x38;
	[tilespmem:$0x1D400] =	vst v63  }
0x2b: {  	_ =	swait.ge [sflag:s28], $0x6800  }
0x2c: {  	[sflag:s28] =	ssyncset.done $0x0  }
0x2d: {  	s4 =	simm.s32 $0x410;
	[sflag:s28] =	ssyncadd.s32 $0xFFFF9800  }
0x2e: {  	[tilespmem:s18], [sflag:$0x2] =	stream.indirect.gather [hbm4b:s2+s16], $0x80, s4, s16, $0xb8;
	[tilespmem:$0x1D400] =	vst v63  }
0x2f: {  	_ =	swait.ge [sflag:s30], $0x6800  }
0x30: {  	[sflag:s30] =	ssyncset.done $0x0  }
0x31: {  	[sflag:s30] =	ssyncadd.s32 $0xFFFF9800  }
0x32: {  	[hbm4b:s7+s3] =	stream.linear.scatter [tilespmem:s20], [sflag:$0x7], $0x6800, $0x38;
	[tilespmem:$0x1D400] =	vst v63  }
0x33: {  	_ =	swait.ge [sflag:s31], $0x6800  }
0x34: {  	[sflag:s31] =	ssyncset.done $0x0  }
0x35: {  	s21 =	simm.s32 $0x4E0;
	[sflag:s31] =	ssyncadd.s32 $0xFFFF9800  }
0x36: {  	[tilespmem:s20], [sflag:$0x3] =	stream.indirect.gather [hbm4b:s2+s16], $0x80, s21, s16, $0xb8;
	[tilespmem:$0x1D400] =	vst v63  }
0x37: {  	_ =	swait.ge [sflag:s0], $0x6800  }
0x38: {  	[sflag:s0] =	ssyncset.done $0x0  }
0x39: {  	[sflag:s0] =	ssyncadd.s32 $0xFFFF9800  }
0x3a: {  	[hbm4b:s8+s3] =	stream.linear.scatter [tilespmem:s22], [sflag:$0x8], $0x6800, $0x38;
	[tilespmem:$0x1D400] =	vst v63  }
0x3b: {  	_ =	swait.ge [sflag:s19], $0x6800  }
0x3c: {  	[sflag:s19] =	ssyncset.done $0x0  }
0x3d: {  	s4 =	simm.s32 $0x5B0;
	[sflag:s19] =	ssyncadd.s32 $0xFFFF9800  }
0x3e: {  	[tilespmem:s22], [sflag:$0x4] =	stream.indirect.gather [hbm4b:s2+s16], $0x80, s4, s16, $0xb8;
	[tilespmem:$0x1D400] =	vst v63  }
0x3f: {  	_ =	swait.ge [sflag:s23], $0x6800  }
0x40: {  	[sflag:s23] =	ssyncset.done $0x0  }
0x41: {  	[sflag:s23] =	ssyncadd.s32 $0xFFFF9800  }
0x42: {  	[hbm4b:s14+s3] =	stream.linear.scatter [tilespmem:s17], [sflag:$0x5], $0x6800, $0x38;
	[tilespmem:$0x1D400] =	vst v63  }
0x43: {  	_ =	swait.ge [sflag:s24], $0x6800  }
0x44: {  	[sflag:s24] =	ssyncset.done $0x0  }
0x45: {  	s21 =	simm.s32 $0x680;
	[sflag:s24] =	ssyncadd.s32 $0xFFFF9800  }
0x46: {  	[tilespmem:s17], [sflag:$0x1] =	stream.indirect.gather [hbm4b:s2+s16], $0x80, s21, s16, $0xb8;
	[tilespmem:$0x1D400] =	vst v63  }
0x47: {  	_ =	swait.ge [sflag:s26], $0x6800  }
0x48: {  	[sflag:s26] =	ssyncset.done $0x0  }
0x49: {  	s4 =	sadd.s32 $0xD00, s14;
	[sflag:s26] =	ssyncadd.s32 $0xFFFF9800  }
0x4a: {  	[hbm4b:s4+s3] =	stream.linear.scatter [tilespmem:s18], [sflag:$0x6], $0x6800, $0x38;
	[tilespmem:$0x1D400] =	vst v63  }
0x4b: {  	_ =	swait.ge [sflag:s28], $0x6800  }
0x4c: {  	[sflag:s28] =	ssyncset.done $0x0  }
0x4d: {  	s21 =	simm.s32 $0x750;
	[sflag:s28] =	ssyncadd.s32 $0xFFFF9800  }
0x4e: {  	[tilespmem:s18], [sflag:$0x2] =	stream.indirect.gather [hbm4b:s2+s16], $0x80, s21, s16, $0xb8;
	[tilespmem:$0x1D400] =	vst v63  }
0x4f: {  	_ =	swait.ge [sflag:s30], $0x6800  }
0x50: {  	[sflag:s30] =	ssyncset.done $0x0  }
0x51: {  	s4 =	sadd.s32 $0x1A00, s14;
	[sflag:s30] =	ssyncadd.s32 $0xFFFF9800  }
0x52: {  	[hbm4b:s4+s3] =	stream.linear.scatter [tilespmem:s20], [sflag:$0x7], $0x6800, $0x38;
	[tilespmem:$0x1D400] =	vst v63  }
0x53: {  	_ =	swait.ge [sflag:s31], $0x6800  }
0x54: {  	[sflag:s31] =	ssyncset.done $0x0  }
0x55: {  	s21 =	simm.s32 $0x820;
	[sflag:s31] =	ssyncadd.s32 $0xFFFF9800  }
0x56: {  	[tilespmem:s20], [sflag:$0x3] =	stream.indirect.gather [hbm4b:s2+s16], $0x80, s21, s16, $0xb8;
	[tilespmem:$0x1D400] =	vst v63  }
0x57: {  	_ =	swait.ge [sflag:s0], $0x6800  }
0x58: {  	s29 =	simm.s32 $0xD00;
	[sflag:s0] =	ssyncset.done $0x0  }
0x59: {  	s1 =	sadd.s32 $0x3400, s14;
	s21 =	sadd.s32 $0x2700, s14;
	[sflag:s0] =	ssyncadd.s32 $0xFFFF9800  }
.LBB2_2:
0x5a: {  	[hbm4b:s21+s3] =	stream.linear.scatter [tilespmem:s22], [sflag:$0x8], $0x6800, $0x38;
	[tilespmem:$0x1D400] =	vst v63  }
0x5b: {  	s21 =	smov.u32 s29  }
0x5c: {  	p0 =	sne.s32 s29, $0xA900;
	s29 =	sadd.s32 $0xD00, s29;
	_ =	swait.ge [sflag:s19], $0x6800  }
0x5d: {  	s21 =	sshra.s32 s21, $0x2;
	[sflag:s19] =	ssyncset.done $0x0  }
0x5e: {  	s4 =	sadd.s32 $0x5B0, s21;
	[sflag:s19] =	ssyncadd.s32 $0xFFFF9800  }
0x5f: {  	[tilespmem:s22], [sflag:$0x4] =	stream.indirect.gather [hbm4b:s2+s16], $0x80, s4, s16, $0xb8;
	[tilespmem:$0x1D400] =	vst v63  }
0x60: {  	_ =	swait.ge [sflag:s23], $0x6800  }
0x61: {  	[sflag:s23] =	ssyncset.done $0x0  }
0x62: {  	[sflag:s23] =	ssyncadd.s32 $0xFFFF9800  }
0x63: {  	[hbm4b:s1+s3] =	stream.linear.scatter [tilespmem:s17], [sflag:$0x5], $0x6800, $0x38;
	[tilespmem:$0x1D400] =	vst v63  }
0x64: {  	_ =	swait.ge [sflag:s24], $0x6800  }
0x65: {  	[sflag:s24] =	ssyncset.done $0x0  }
0x66: {  	s4 =	sadd.s32 $0x680, s21;
	[sflag:s24] =	ssyncadd.s32 $0xFFFF9800  }
0x67: {  	[tilespmem:s17], [sflag:$0x1] =	stream.indirect.gather [hbm4b:s2+s16], $0x80, s4, s16, $0xb8;
	[tilespmem:$0x1D400] =	vst v63  }
0x68: {  	_ =	swait.ge [sflag:s26], $0x6800  }
0x69: {  	[sflag:s26] =	ssyncset.done $0x0  }
0x6a: {  	s4 =	sadd.s32 $0xD00, s1;
	[sflag:s26] =	ssyncadd.s32 $0xFFFF9800  }
0x6b: {  	[hbm4b:s4+s3] =	stream.linear.scatter [tilespmem:s18], [sflag:$0x6], $0x6800, $0x38;
	[tilespmem:$0x1D400] =	vst v63  }
0x6c: {  	_ =	swait.ge [sflag:s28], $0x6800  }
0x6d: {  	[sflag:s28] =	ssyncset.done $0x0  }
0x6e: {  	s4 =	sadd.s32 $0x750, s21;
	[sflag:s28] =	ssyncadd.s32 $0xFFFF9800  }
0x6f: {  	[tilespmem:s18], [sflag:$0x2] =	stream.indirect.gather [hbm4b:s2+s16], $0x80, s4, s16, $0xb8;
	[tilespmem:$0x1D400] =	vst v63  }
0x70: {  	_ =	swait.ge [sflag:s30], $0x6800  }
0x71: {  	[sflag:s30] =	ssyncset.done $0x0  }
0x72: {  	s4 =	sadd.s32 $0x1A00, s1;
	[sflag:s30] =	ssyncadd.s32 $0xFFFF9800  }
0x73: {  	[hbm4b:s4+s3] =	stream.linear.scatter [tilespmem:s20], [sflag:$0x7], $0x6800, $0x38;
	[tilespmem:$0x1D400] =	vst v63  }
0x74: {  	_ =	swait.ge [sflag:s31], $0x6800  }
0x75: {  	[sflag:s31] =	ssyncset.done $0x0  }
.Ltmp0:
0x76: {  	s4 =	sadd.s32 $0x820, s21;
	[sflag:s31] =	ssyncadd.s32 $0xFFFF9800;
	(pc) =	sbr.rel @p0 .LBB2_2-.Ltmp0, $4  }
0x77: {  	[tilespmem:s20], [sflag:$0x3] =	stream.indirect.gather [hbm4b:s2+s16], $0x80, s4, s16, $0xb8;
	[tilespmem:$0x1D400] =	vst v63  }
0x78: {  	_ =	swait.ge [sflag:s0], $0x6800  }
0x79: {  	[sflag:s0] =	ssyncset.done $0x0  }
0x7a: {  	s21 =	sadd.s32 $0x2700, s1;
	s1 =	sadd.s32 $0x3400, s1;
	[sflag:s0] =	ssyncadd.s32 $0xFFFF9800  }
0x7b: {  	[hbm4b:s21+s3] =	stream.linear.scatter [tilespmem:s22], [sflag:$0x8], $0x6800, $0x38;
	[tilespmem:$0x1D400] =	vst v63  }
0x7c: {  	_ =	swait.ge [sflag:s19], $0x6800  }
0x7d: {  	[sflag:s19] =	ssyncset.done $0x0  }
0x7e: {  	s1 =	simm.s32 $0x3330;
	[sflag:s19] =	ssyncadd.s32 $0xFFFF9800  }
0x7f: {  	[tilespmem:s22], [sflag:$0x4] =	stream.indirect.gather [hbm4b:s2+s16], $0x80, s1, s16, $0xb8;
	[tilespmem:$0x1D400] =	vst v63  }
0x80: {  	_ =	swait.ge [sflag:s23], $0x6800  }
0x81: {  	[sflag:s23] =	ssyncset.done $0x0  }
0x82: {  	[sflag:s23] =	ssyncadd.s32 $0xFFFF9800  }
0x83: {  	[hbm4b:s9+s3] =	stream.linear.scatter [tilespmem:s17], [sflag:$0x5], $0x6800, $0x38;
	[tilespmem:$0x1D400] =	vst v63  }
0x84: {  	_ =	swait.ge [sflag:s26], $0x6800  }
0x85: {  	[sflag:s26] =	ssyncset.done $0x0  }
0x86: {  	[sflag:s26] =	ssyncadd.s32 $0xFFFF9800  }
0x87: {  	[hbm4b:s10+s3] =	stream.linear.scatter [tilespmem:s18], [sflag:$0x6], $0x6800, $0x38;
	[tilespmem:$0x1D400] =	vst v63  }
0x88: {  	_ =	swait.ge [sflag:s30], $0x6800  }
0x89: {  	[sflag:s30] =	ssyncset.done $0x0  }
0x8a: {  	[sflag:s30] =	ssyncadd.s32 $0xFFFF9800  }
0x8b: {  	[hbm4b:s11+s3] =	stream.linear.scatter [tilespmem:s20], [sflag:$0x7], $0x6800, $0x38;
	[tilespmem:$0x1D400] =	vst v63  }
0x8c: {  	_ =	swait.ge [sflag:s0], $0x6800  }
0x8d: {  	[sflag:s0] =	ssyncset.done $0x0  }
0x8e: {  	[sflag:s0] =	ssyncadd.s32 $0xFFFF9800  }
0x8f: {  	[hbm4b:s12+s3] =	stream.linear.scatter [tilespmem:s22], [sflag:$0x8], $0x6800, $0x38;
	[tilespmem:$0x1D400] =	vst v63  }
0x90: {  	_ =	swait.ge [sflag:s24], $0x6800  }
0x91: {  	[sflag:s24] =	ssyncset.done $0x0  }
0x92: {  	[sflag:s24] =	ssyncadd.s32 $0xFFFF9800  }
0x93: {  	_ =	swait.ge [sflag:s28], $0x6800  }
0x94: {  	[sflag:s28] =	ssyncset.done $0x0  }
0x95: {  	s25 =	sadd.s32 $0x1, s25;
	[sflag:s28] =	ssyncadd.s32 $0xFFFF9800  }
0x96: {  	p0 =	sne.s32 s25, s13;
	_ =	swait.ge [sflag:s31], $0x6800  }
.Ltmp1:
0x97: {  	[sflag:s31] =	ssyncset.done $0x0;
	(pc) =	sbr.rel @p0 .LBB2_1-.Ltmp1, $4  }
0x98: {  	[sflag:s31] =	ssyncadd.s32 $0xFFFF9800  }
0x99: {  	_ =	swait.ge [sflag:s19], $0x6800  }
0x9a: {  	[sflag:s19] =	ssyncset.done $0x0  }
0x9b: {  	[sflag:s19] =	ssyncadd.s32 $0xFFFF9800  }
0x9c: {  	_ =	sfence.sel $0x180000  }
0x9d: {  	[bflag:$0x0] =	sbarrier.arrive $0xFFFF  }
0x9e: {  	_ =	strace $0x90000047  }
0x9f: {  	s0 =	stileid.u32;
	[bflag:$0x2] =	sbarrier.arrive $0xFFFF  }
0xa0: {  	p0 =	sne.s32 s0, $0x0;
	s0 =	rddreg [dreg:$0x3]  }
0xa1: {  	s0 =	sadd.s32 @!p0 $0x100000, s0  }
0xa2: {  	[sflag:s0] =	ssyncadd.tile.s32 @!p0 $0x1;
	_ =	shalt  }
.Lfunc_end2:
_tile_overlayer_lowered:
.L_overlay_start_2:
0xa3: {  	(tag) =	ssettag $0x2  }
0xa4: {  	s0 =	rddreg [dreg:$0x0];
	s2 =	stileid.u32  }
0xa5: {  	s1 =	rddreg [dreg:$0x1];
	p0 =	sne.s32 s2, $0x0  }
0xa6: {  	s3 =	rddreg [dreg:$0x2];
	[bflag:$0x3] =	sbarrier.arrive $0xFFFF;
	s2 =	simm.s32 @!p0 $0x1C09  }
0xa7: {  	[timem:s3], [sflag:s2] =	dma.local @!p0 [hbm:s0], s1  }
0xa8: {  	s0 =	simm.s32 @!p0 $0x9  }
0xa9: {  	_ =	swait.ge @!p0 [sflag:s0], s1  }
0xaa: {  	s1 =	ssub.s32 @!p0 $0x0, s1;
	[sflag:s0] =	ssyncset.done @!p0 $0x0  }
0xab: {  	[sflag:s0] =	ssyncadd.s32 @!p0 s1  }
0xac: {  	[bflag:$0x3] =	sbarrier.arrive $0xFFFF  }
0xad: {  	_ =	shalt  }

</sc_bundles>
